<compile_context>
chip_gen: v7x
topology: tpu7x:2x2x1
jax: 0.10.2.dev20260603
libtpu: 0.0.44.dev20260713+nightly
codegen_flags: <defaults>
</compile_context>

<pallas_src>
import functools

import jax
import jax.numpy as jnp
from jax import lax
from jax.experimental import pallas as pl
from jax.experimental.pallas import tpu as pltpu
from jax.experimental.pallas import tpu_sc as plsc

_N_E = 8192
_E_DIM = 64
_N_TOK = 9216
_BETA = 0.25

_TM = 512
_TN = 2048
_GT = _N_TOK // _TM
_GN = _N_E // _TN


def _vq_body(z_ref, e_ref, idx_ref, loss_ref, mink_ref, minn_ref):
    t = pl.program_id(0)
    n = pl.program_id(1)

    @pl.when(n == 0)
    def _init():
        mink_ref[...] = jnp.full((_TM, 1), jnp.int32(0x7F7FFFFF))
        minn_ref[...] = jnp.zeros((_TM, 1), jnp.int32)

    @pl.when((t == 0) & (n == 0))
    def _init_loss():
        loss_ref[...] = jnp.zeros_like(loss_ref)

    z = z_ref[...]
    e = e_ref[...]
    zsq = jnp.sum(z * z, axis=1, keepdims=True)
    esq = jnp.sum(e * e, axis=1)[None, :]
    mm2 = lax.dot_general((-2.0 * z).astype(jnp.bfloat16), e,
                          (((1,), (1,)), ((), ())),
                          preferred_element_type=jnp.float32)
    d = (zsq + esq) + mm2

    cols = lax.broadcasted_iota(jnp.int32, (_TM, _TN), 1)
    key = (lax.bitcast_convert_type(d, jnp.int32) & ~jnp.int32(2047)) | cols
    lkey = jnp.min(key, axis=1, keepdims=True)

    pred = lkey < mink_ref[...]
    minn_ref[...] = jnp.where(pred, n, minn_ref[...])
    mink_ref[...] = jnp.where(pred, lkey, mink_ref[...])

    @pl.when(n == _GN - 1)
    def _finish():
        k = mink_ref[...]
        idx = minn_ref[...] * _TN + (k & jnp.int32(2047))
        idx_ref[...] = idx.reshape((_TM,))
        dmin = lax.bitcast_convert_type(k & ~jnp.int32(2047), jnp.float32)
        loss_ref[...] += jnp.sum(dmin).reshape(1, 1)

    @pl.when((n == _GN - 1) & (t == _GT - 1))
    def _scale():
        loss_ref[...] = loss_ref[...] * ((1.0 + _BETA) / (_N_TOK * _E_DIM))


def _vq_argmin(z_flat, emb):
    return pl.pallas_call(
        _vq_body,
        grid=(_GT, _GN),
        in_specs=[
            pl.BlockSpec((_TM, _E_DIM), lambda t, n: (t, 0)),
            pl.BlockSpec((_TN, _E_DIM), lambda t, n: (n, 0)),
        ],
        out_specs=[
            pl.BlockSpec((_TM,), lambda t, n: (t,)),
            pl.BlockSpec((1, 1), lambda t, n: (0, 0)),
        ],
        out_shape=[
            jax.ShapeDtypeStruct((_N_TOK,), jnp.int32),
            jax.ShapeDtypeStruct((1, 1), jnp.float32),
        ],
        scratch_shapes=[
            pltpu.VMEM((_TM, 1), jnp.int32),
            pltpu.VMEM((_TM, 1), jnp.int32),
        ],
    )(z_flat, emb)


@functools.cache
def _make_sc_gather():
    info = plsc.get_sparse_core_info()
    nw = info.num_cores * info.num_subcores
    b_per_w = _N_TOK // nw
    ch = 96
    n_ch = b_per_w // ch
    mesh = plsc.VectorSubcoreMesh(core_axis_name="c", subcore_axis_name="s")

    @functools.partial(
        pl.kernel,
        mesh=mesh,
        out_type=jax.ShapeDtypeStruct((_N_TOK, _E_DIM), jnp.float32),
        scratch_types=[
            pltpu.VMEM((b_per_w,), jnp.int32),
            [pltpu.VMEM((ch, _E_DIM), jnp.float32) for _ in range(3)],
            pltpu.SemaphoreType.DMA,
            pltpu.SemaphoreType.DMA,
        ],
        compiler_params=pltpu.CompilerParams(use_tc_tiling_on_sc=False),
    )
    def gather_k(table_hbm, idx_hbm, out_hbm, idx_v, rows, gsem, wsem):
        wid = lax.axis_index("s") * info.num_cores + lax.axis_index("c")
        base = wid * b_per_w
        pltpu.sync_copy(idx_hbm.at[pl.ds(base, b_per_w)], idx_v)
        gathers = [
            pltpu.async_copy(table_hbm.at[idx_v.at[pl.ds(j * ch, ch)]],
                             rows[j], gsem)
            for j in range(n_ch)
        ]
        writes = []
        for j in range(n_ch):
            gathers[j].wait()
            writes.append(pltpu.async_copy(
                rows[j], out_hbm.at[pl.ds(base + j * ch, ch)], wsem))
        for w in writes:
            w.wait()

    return gather_k


def kernel(z, embedding_weight):
    z_flat = z.reshape(-1, _E_DIM)
    idx, loss = _vq_argmin(z_flat, embedding_weight)
    z_q = _make_sc_gather()(embedding_weight, idx)
    return (z_q.reshape(z.shape), loss[0, 0], idx)

# --- scband reference (transcript-rebuilt; emitter-appended) ---
"""Pipeline reference for scband-vector-quantizer-65996467470952 (READ-ONLY COPY).

The authoritative reference and input builder live on the scoring server;
editing this copy changes nothing except your own understanding.
"""

import jax, jax.numpy as jnp
import numpy as np

N_E = 8192
E_DIM = 64
BETA = 0.25


def setup_inputs(seed: int = 0) -> dict:
    key = jax.random.key(seed)
    k1, k2 = jax.random.split(key)
    z = jax.random.normal(k1, (16, 576, E_DIM), dtype=jnp.float32)
    # kaiming normal fan_in for linear: std = 1/sqrt(fan_in), fan_in = e_dim
    std = 1.0 / np.sqrt(E_DIM)
    embedding_weight = jax.random.normal(k2, (N_E, E_DIM), dtype=jnp.float32) * std
    return {"z": z, "embedding_weight": embedding_weight}


def reference(z, embedding_weight):
    # legacy=True, l2_norm=False, 3D input path (no bchw rearrange)
    e_dim = embedding_weight.shape[1]
    z_flat = z.reshape(-1, e_dim)
    d = (jnp.sum(z_flat ** 2, axis=1, keepdims=True)
         + jnp.sum(embedding_weight ** 2, axis=1)
         - 2.0 * jnp.einsum('bd,nd->bn', z_flat, embedding_weight))
    min_encoding_indices = jnp.argmin(d, axis=1)
    z_q = jnp.take(embedding_weight, min_encoding_indices, axis=0).reshape(z.shape)
    z_norm = z  # l2_norm=False
    loss = (jnp.mean((jax.lax.stop_gradient(z_q) - z_norm) ** 2)
            + BETA * jnp.mean((z_q - jax.lax.stop_gradient(z_norm)) ** 2))
    z_q_st = z + jax.lax.stop_gradient(z_q - z)
    return (z_q_st, loss, min_encoding_indices.astype(jnp.int32))

if __name__ == "__main__":
    import jax
    _d = setup_inputs()
    print(jax.jit(kernel)(*tuple(_d.values())))

</pallas_src>

<mosaic_0001>
#map = affine_map<(d0, d1) -> (0, 0)>
#map1 = affine_map<(d0, d1) -> (0)>
module attributes {stable_mosaic.version = 14 : i64} {
  func.func @gather_k(%arg0: i32, %arg1: i32, %arg2: memref<8192x64xf32, #tpu.memory_space<hbm>>, %arg3: memref<9216xi32, #tpu.memory_space<hbm>>, %arg4: memref<9216x64xf32, #tpu.memory_space<hbm>>, %arg5: memref<288xi32, #tpu.memory_space<vmem>>, %arg6: memref<96x64xf32, #tpu.memory_space<vmem>>, %arg7: memref<96x64xf32, #tpu.memory_space<vmem>>, %arg8: memref<96x64xf32, #tpu.memory_space<vmem>>, %arg9: memref<!tpu.dma_semaphore, #tpu.memory_space<semaphore_mem>>, %arg10: memref<!tpu.dma_semaphore, #tpu.memory_space<semaphore_mem>>) attributes {dimension_semantics = [#tpu.dimension_semantics<core_parallel>, #tpu.dimension_semantics<subcore_parallel>], iteration_bounds = array<i64: 2, 16>, scalar_prefetch = 0 : i64, scratch_operands = 6 : i64, tpu.core_type = #tpu.core_type<sc_vector_subcore>, window_params = [{transform_indices = #map}, {transform_indices = #map1}, {transform_indices = #map}]} {
    %mul3A = arith.constant 2 : i32
    %mul3A_0 = arith.muli %arg1, %mul3A : i32
    %add3A = arith.addi %mul3A_0, %arg0 : i32
    %mul3A_1 = arith.constant 288 : i32
    %mul3A_2 = arith.muli %add3A, %mul3A_1 : i32
    "tpu.region"() ({
      %run_scoped3A = tpu.sem_alloc : memref<!tpu.dma_semaphore, #tpu.memory_space<semaphore_mem>>
      %dma_start3A_61 = tpu.memref_slice %arg3[%mul3A_2] : memref<9216xi32, #tpu.memory_space<hbm>> -> memref<288xi32, #tpu.memory_space<hbm>>
      %dma_start3A_62 = tpu.memref_slice %arg3[%mul3A_2] : memref<9216xi32, #tpu.memory_space<hbm>> -> memref<288xi32, #tpu.memory_space<hbm>>
      tpu.enqueue_dma source(%dma_start3A_62 : memref<288xi32, #tpu.memory_space<hbm>>) target(%arg5 : memref<288xi32, #tpu.memory_space<vmem>>) target_semaphore(%run_scoped3A : memref<!tpu.dma_semaphore, #tpu.memory_space<semaphore_mem>>)
      %dma_wait3A_63 = tpu.memref_slice %arg3[%mul3A_2] : memref<9216xi32, #tpu.memory_space<hbm>> -> memref<288xi32, #tpu.memory_space<hbm>>
      %dma_wait3A_64 = tpu.memref_slice %arg3[%mul3A_2] : memref<9216xi32, #tpu.memory_space<hbm>> -> memref<288xi32, #tpu.memory_space<hbm>>
      tpu.wait_dma2 semaphore(%run_scoped3A : memref<!tpu.dma_semaphore, #tpu.memory_space<semaphore_mem>>) src(%dma_wait3A_64 : memref<288xi32, #tpu.memory_space<hbm>>) dst(%arg5 : memref<288xi32, #tpu.memory_space<vmem>>)
      tpu.yield
    }) : () -> ()
    %dma_start3A = arith.constant 0 : i32
    %dma_start3A_3 = tpu.memref_slice %arg5[%dma_start3A] : memref<288xi32, #tpu.memory_space<vmem>> -> memref<96xi32, #tpu.memory_space<vmem>>
    %dma_start3A_4 = arith.constant 0 : i32
    %dma_start3A_5 = arith.constant 0 : i32
    %dma_start3A_6 = tpu.memref_slice %arg2[%dma_start3A_4, %dma_start3A_5] : memref<8192x64xf32, #tpu.memory_space<hbm>> -> memref<8192x64xf32, #tpu.memory_space<hbm>>
    tpu.enqueue_indirect_dma source(%dma_start3A_6 : memref<8192x64xf32, #tpu.memory_space<hbm>>) target(%arg6 : memref<96x64xf32, #tpu.memory_space<vmem>>) offsets(%dma_start3A_3 : memref<96xi32, #tpu.memory_space<vmem>>) semaphore(%arg9 : memref<!tpu.dma_semaphore, #tpu.memory_space<semaphore_mem>>)
    %dma_start3A_7 = arith.constant 96 : i32
    %dma_start3A_8 = tpu.memref_slice %arg5[%dma_start3A_7] : memref<288xi32, #tpu.memory_space<vmem>> -> memref<96xi32, #tpu.memory_space<vmem>>
    %dma_start3A_9 = arith.constant 0 : i32
    %dma_start3A_10 = arith.constant 0 : i32
    %dma_start3A_11 = tpu.memref_slice %arg2[%dma_start3A_9, %dma_start3A_10] : memref<8192x64xf32, #tpu.memory_space<hbm>> -> memref<8192x64xf32, #tpu.memory_space<hbm>>
    tpu.enqueue_indirect_dma source(%dma_start3A_11 : memref<8192x64xf32, #tpu.memory_space<hbm>>) target(%arg7 : memref<96x64xf32, #tpu.memory_space<vmem>>) offsets(%dma_start3A_8 : memref<96xi32, #tpu.memory_space<vmem>>) semaphore(%arg9 : memref<!tpu.dma_semaphore, #tpu.memory_space<semaphore_mem>>)
    %dma_start3A_12 = arith.constant 192 : i32
    %dma_start3A_13 = tpu.memref_slice %arg5[%dma_start3A_12] : memref<288xi32, #tpu.memory_space<vmem>> -> memref<96xi32, #tpu.memory_space<vmem>>
    %dma_start3A_14 = arith.constant 0 : i32
    %dma_start3A_15 = arith.constant 0 : i32
    %dma_start3A_16 = tpu.memref_slice %arg2[%dma_start3A_14, %dma_start3A_15] : memref<8192x64xf32, #tpu.memory_space<hbm>> -> memref<8192x64xf32, #tpu.memory_space<hbm>>
    tpu.enqueue_indirect_dma source(%dma_start3A_16 : memref<8192x64xf32, #tpu.memory_space<hbm>>) target(%arg8 : memref<96x64xf32, #tpu.memory_space<vmem>>) offsets(%dma_start3A_13 : memref<96xi32, #tpu.memory_space<vmem>>) semaphore(%arg9 : memref<!tpu.dma_semaphore, #tpu.memory_space<semaphore_mem>>)
    %dma_wait3A = arith.constant 0 : i32
    %dma_wait3A_17 = tpu.memref_slice %arg5[%dma_wait3A] : memref<288xi32, #tpu.memory_space<vmem>> -> memref<96xi32, #tpu.memory_space<vmem>>
    %dma_wait3A_18 = arith.constant 0 : i32
    %dma_wait3A_19 = arith.constant 0 : i32
    %dma_wait3A_20 = tpu.memref_slice %arg2[%dma_wait3A_18, %dma_wait3A_19] : memref<8192x64xf32, #tpu.memory_space<hbm>> -> memref<8192x64xf32, #tpu.memory_space<hbm>>
    tpu.wait_indirect_dma semaphore(%arg9 : memref<!tpu.dma_semaphore, #tpu.memory_space<semaphore_mem>>) src(%dma_wait3A_20 : memref<8192x64xf32, #tpu.memory_space<hbm>>) dst(%arg6 : memref<96x64xf32, #tpu.memory_space<vmem>>)
    %add3A_21 = arith.constant 0 : i32
    %add3A_22 = arith.addi %mul3A_2, %add3A_21 : i32
    %dma_start3A_23 = arith.constant 0 : i32
    %dma_start3A_24 = tpu.memref_slice %arg4[%add3A_22, %dma_start3A_23] : memref<9216x64xf32, #tpu.memory_space<hbm>> -> memref<96x64xf32, #tpu.memory_space<hbm>>
    %dma_start3A_25 = arith.constant 0 : i32
    %dma_start3A_26 = tpu.memref_slice %arg4[%add3A_22, %dma_start3A_25] : memref<9216x64xf32, #tpu.memory_space<hbm>> -> memref<96x64xf32, #tpu.memory_space<hbm>>
    tpu.enqueue_dma source(%arg6 : memref<96x64xf32, #tpu.memory_space<vmem>>) target(%dma_start3A_26 : memref<96x64xf32, #tpu.memory_space<hbm>>) target_semaphore(%arg10 : memref<!tpu.dma_semaphore, #tpu.memory_space<semaphore_mem>>)
    %dma_wait3A_27 = arith.constant 96 : i32
    %dma_wait3A_28 = tpu.memref_slice %arg5[%dma_wait3A_27] : memref<288xi32, #tpu.memory_space<vmem>> -> memref<96xi32, #tpu.memory_space<vmem>>
    %dma_wait3A_29 = arith.constant 0 : i32
    %dma_wait3A_30 = arith.constant 0 : i32
    %dma_wait3A_31 = tpu.memref_slice %arg2[%dma_wait3A_29, %dma_wait3A_30] : memref<8192x64xf32, #tpu.memory_space<hbm>> -> memref<8192x64xf32, #tpu.memory_space<hbm>>
    tpu.wait_indirect_dma semaphore(%arg9 : memref<!tpu.dma_semaphore, #tpu.memory_space<semaphore_mem>>) src(%dma_wait3A_31 : memref<8192x64xf32, #tpu.memory_space<hbm>>) dst(%arg7 : memref<96x64xf32, #tpu.memory_space<vmem>>)
    %add3A_32 = arith.constant 96 : i32
    %add3A_33 = arith.addi %mul3A_2, %add3A_32 : i32
    %dma_start3A_34 = arith.constant 0 : i32
    %dma_start3A_35 = tpu.memref_slice %arg4[%add3A_33, %dma_start3A_34] : memref<9216x64xf32, #tpu.memory_space<hbm>> -> memref<96x64xf32, #tpu.memory_space<hbm>>
    %dma_start3A_36 = arith.constant 0 : i32
    %dma_start3A_37 = tpu.memref_slice %arg4[%add3A_33, %dma_start3A_36] : memref<9216x64xf32, #tpu.memory_space<hbm>> -> memref<96x64xf32, #tpu.memory_space<hbm>>
    tpu.enqueue_dma source(%arg7 : memref<96x64xf32, #tpu.memory_space<vmem>>) target(%dma_start3A_37 : memref<96x64xf32, #tpu.memory_space<hbm>>) target_semaphore(%arg10 : memref<!tpu.dma_semaphore, #tpu.memory_space<semaphore_mem>>)
    %dma_wait3A_38 = arith.constant 192 : i32
    %dma_wait3A_39 = tpu.memref_slice %arg5[%dma_wait3A_38] : memref<288xi32, #tpu.memory_space<vmem>> -> memref<96xi32, #tpu.memory_space<vmem>>
    %dma_wait3A_40 = arith.constant 0 : i32
    %dma_wait3A_41 = arith.constant 0 : i32
    %dma_wait3A_42 = tpu.memref_slice %arg2[%dma_wait3A_40, %dma_wait3A_41] : memref<8192x64xf32, #tpu.memory_space<hbm>> -> memref<8192x64xf32, #tpu.memory_space<hbm>>
    tpu.wait_indirect_dma semaphore(%arg9 : memref<!tpu.dma_semaphore, #tpu.memory_space<semaphore_mem>>) src(%dma_wait3A_42 : memref<8192x64xf32, #tpu.memory_space<hbm>>) dst(%arg8 : memref<96x64xf32, #tpu.memory_space<vmem>>)
    %add3A_43 = arith.constant 192 : i32
    %add3A_44 = arith.addi %mul3A_2, %add3A_43 : i32
    %dma_start3A_45 = arith.constant 0 : i32
    %dma_start3A_46 = tpu.memref_slice %arg4[%add3A_44, %dma_start3A_45] : memref<9216x64xf32, #tpu.memory_space<hbm>> -> memref<96x64xf32, #tpu.memory_space<hbm>>
    %dma_start3A_47 = arith.constant 0 : i32
    %dma_start3A_48 = tpu.memref_slice %arg4[%add3A_44, %dma_start3A_47] : memref<9216x64xf32, #tpu.memory_space<hbm>> -> memref<96x64xf32, #tpu.memory_space<hbm>>
    tpu.enqueue_dma source(%arg8 : memref<96x64xf32, #tpu.memory_space<vmem>>) target(%dma_start3A_48 : memref<96x64xf32, #tpu.memory_space<hbm>>) target_semaphore(%arg10 : memref<!tpu.dma_semaphore, #tpu.memory_space<semaphore_mem>>)
    %dma_wait3A_49 = arith.constant 0 : i32
    %dma_wait3A_50 = tpu.memref_slice %arg4[%add3A_22, %dma_wait3A_49] : memref<9216x64xf32, #tpu.memory_space<hbm>> -> memref<96x64xf32, #tpu.memory_space<hbm>>
    %dma_wait3A_51 = arith.constant 0 : i32
    %dma_wait3A_52 = tpu.memref_slice %arg4[%add3A_22, %dma_wait3A_51] : memref<9216x64xf32, #tpu.memory_space<hbm>> -> memref<96x64xf32, #tpu.memory_space<hbm>>
    tpu.wait_dma2 semaphore(%arg10 : memref<!tpu.dma_semaphore, #tpu.memory_space<semaphore_mem>>) src(%arg6 : memref<96x64xf32, #tpu.memory_space<vmem>>) dst(%dma_wait3A_52 : memref<96x64xf32, #tpu.memory_space<hbm>>)
    %dma_wait3A_53 = arith.constant 0 : i32
    %dma_wait3A_54 = tpu.memref_slice %arg4[%add3A_33, %dma_wait3A_53] : memref<9216x64xf32, #tpu.memory_space<hbm>> -> memref<96x64xf32, #tpu.memory_space<hbm>>
    %dma_wait3A_55 = arith.constant 0 : i32
    %dma_wait3A_56 = tpu.memref_slice %arg4[%add3A_33, %dma_wait3A_55] : memref<9216x64xf32, #tpu.memory_space<hbm>> -> memref<96x64xf32, #tpu.memory_space<hbm>>
    tpu.wait_dma2 semaphore(%arg10 : memref<!tpu.dma_semaphore, #tpu.memory_space<semaphore_mem>>) src(%arg7 : memref<96x64xf32, #tpu.memory_space<vmem>>) dst(%dma_wait3A_56 : memref<96x64xf32, #tpu.memory_space<hbm>>)
    %dma_wait3A_57 = arith.constant 0 : i32
    %dma_wait3A_58 = tpu.memref_slice %arg4[%add3A_44, %dma_wait3A_57] : memref<9216x64xf32, #tpu.memory_space<hbm>> -> memref<96x64xf32, #tpu.memory_space<hbm>>
    %dma_wait3A_59 = arith.constant 0 : i32
    %dma_wait3A_60 = tpu.memref_slice %arg4[%add3A_44, %dma_wait3A_59] : memref<9216x64xf32, #tpu.memory_space<hbm>> -> memref<96x64xf32, #tpu.memory_space<hbm>>
    tpu.wait_dma2 semaphore(%arg10 : memref<!tpu.dma_semaphore, #tpu.memory_space<semaphore_mem>>) src(%arg8 : memref<96x64xf32, #tpu.memory_space<vmem>>) dst(%dma_wait3A_60 : memref<96x64xf32, #tpu.memory_space<hbm>>)
    return
  }
}

module attributes {stable_mosaic.version = 14 : i64} {
  func.func @_vq_body(%arg0: i32, %arg1: i32, %arg2: memref<512x64xf32, #tpu.memory_space<vmem>>, %arg3: memref<2048x64xf32, #tpu.memory_space<vmem>>, %arg4: memref<512xi32, #tpu.memory_space<vmem>>, %arg5: memref<1x1xf32, #tpu.memory_space<vmem>>, %arg6: memref<512x1xi32, #tpu.memory_space<vmem>>, %arg7: memref<512x1xi32, #tpu.memory_space<vmem>>) attributes {dimension_semantics = [#tpu.dimension_semantics<arbitrary>, #tpu.dimension_semantics<arbitrary>], iteration_bounds = array<i64: 18, 4>, scalar_prefetch = 0 : i64, scratch_operands = 2 : i64, tpu.core_type = #tpu.core_type<tc>, window_params = [{transform_indices = @transform_0, window_bounds = array<i64: 512, 64>}, {transform_indices = @transform_1, window_bounds = array<i64: 2048, 64>}, {transform_indices = @transform_2, window_bounds = array<i64: 512>}, {pipeline_mode = #tpu.pipeline_mode<synchronous>, transform_indices = @transform_3, window_bounds = array<i64: 1, 1>}]} {
    %eq3A = arith.constant 0 : i32
    %eq3A_0 = arith.cmpi eq, %arg1, %eq3A : i32
    %convert_element_type3A = arith.extui %eq3A_0 : i1 to i32
    %cond3A = arith.constant 0 : i32
    %cond3A_1 = arith.cmpi ne, %convert_element_type3A, %cond3A : i32
    scf.if %cond3A_1 {
      %broadcast_in_dim3A_62 = arith.constant 2139095039 : i32
      %broadcast_in_dim3A_63 = vector.broadcast %broadcast_in_dim3A_62 : i32 to vector<512x1xi32>
      %swap3A_64 = arith.constant 0 : index
      %swap3A_65 = arith.constant 0 : index
      %swap3A_66 = vector.load %arg6[%swap3A_64, %swap3A_65] : memref<512x1xi32, #tpu.memory_space<vmem>>, vector<512x1xi32>
      tpu.vector_store %arg6[%swap3A_64, %swap3A_65], %broadcast_in_dim3A_63 {strides = array<i32>} : memref<512x1xi32, #tpu.memory_space<vmem>>, vector<512x1xi32>,
      %broadcast_in_dim3A_67 = arith.constant 0 : i32
      %broadcast_in_dim3A_68 = vector.broadcast %broadcast_in_dim3A_67 : i32 to vector<512x1xi32>
      %swap3A_69 = arith.constant 0 : index
      %swap3A_70 = arith.constant 0 : index
      %swap3A_71 = vector.load %arg7[%swap3A_69, %swap3A_70] : memref<512x1xi32, #tpu.memory_space<vmem>>, vector<512x1xi32>
      tpu.vector_store %arg7[%swap3A_69, %swap3A_70], %broadcast_in_dim3A_68 {strides = array<i32>} : memref<512x1xi32, #tpu.memory_space<vmem>>, vector<512x1xi32>,
    } else {
    }
    %eq3A_2 = arith.constant 0 : i32
    %eq3A_3 = arith.cmpi eq, %arg0, %eq3A_2 : i32
    %eq3A_4 = arith.constant 0 : i32
    %eq3A_5 = arith.cmpi eq, %arg1, %eq3A_4 : i32
    %and3A = arith.andi %eq3A_3, %eq3A_5 : i1
    %convert_element_type3A_6 = arith.extui %and3A : i1 to i32
    %cond3A_7 = arith.constant 0 : i32
    %cond3A_8 = arith.cmpi ne, %convert_element_type3A_6, %cond3A_7 : i32
    scf.if %cond3A_8 {
      %broadcast_in_dim3A_62 = arith.constant 0.000000e+00 : f32
      %broadcast_in_dim3A_63 = vector.broadcast %broadcast_in_dim3A_62 : f32 to vector<1x1xf32>
      %swap3A_64 = arith.constant 0 : index
      %swap3A_65 = arith.constant 0 : index
      %swap3A_66 = vector.load %arg5[%swap3A_64, %swap3A_65] : memref<1x1xf32, #tpu.memory_space<vmem>>, vector<1x1xf32>
      tpu.vector_store %arg5[%swap3A_64, %swap3A_65], %broadcast_in_dim3A_63 {strides = array<i32>} : memref<1x1xf32, #tpu.memory_space<vmem>>, vector<1x1xf32>,
    } else {
    }
    %get3A = arith.constant 0 : index
    %get3A_9 = arith.constant 0 : index
    %get3A_10 = vector.load %arg2[%get3A, %get3A_9] : memref<512x64xf32, #tpu.memory_space<vmem>>, vector<512x64xf32>
    %get3A_11 = arith.constant 0 : index
    %get3A_12 = arith.constant 0 : index
    %get3A_13 = vector.load %arg3[%get3A_11, %get3A_12] : memref<2048x64xf32, #tpu.memory_space<vmem>>, vector<2048x64xf32>
    %mul3A = arith.mulf %get3A_10, %get3A_10 : vector<512x64xf32>
    %reduce_sum3A = arith.constant dense<0.000000e+00> : vector<512xf32>
    %reduce_sum3A_14 = vector.multi_reduction <add>, %mul3A, %reduce_sum3A [1] : vector<512x64xf32> to vector<512xf32>
    %broadcast_in_dim3A = vector.shape_cast %reduce_sum3A_14 : vector<512xf32> to vector<512x1xf32>
    %mul3A_15 = arith.mulf %get3A_13, %get3A_13 : vector<2048x64xf32>
    %reduce_sum3A_16 = arith.constant dense<0.000000e+00> : vector<2048xf32>
    %reduce_sum3A_17 = vector.multi_reduction <add>, %mul3A_15, %reduce_sum3A_16 [1] : vector<2048x64xf32> to vector<2048xf32>
    %broadcast_in_dim3A_18 = vector.shape_cast %reduce_sum3A_17 : vector<2048xf32> to vector<1x2048xf32>
    %mul3A_19 = arith.constant -2.000000e+00 : f32
    %mul3A_20 = vector.broadcast %mul3A_19 : f32 to vector<512x64xf32>
    %mul3A_21 = arith.mulf %mul3A_20, %get3A_10 : vector<512x64xf32>
    %convert_element_type3A_22 = arith.truncf %mul3A_21 : vector<512x64xf32> to vector<512x64xbf16>
    %dot_general3A = arith.constant dense<0.000000e+00> : vector<512x2048xf32>
    %dot_general3A_23 = tpu.matmul %convert_element_type3A_22, %get3A_13, %dot_general3A {dimension_numbers = #tpu.dot_dimension_numbers<[1], [1], [0], [0], [0, 0, 1, 0], [], []>, transpose_lhs_hint = false} : vector<512x64xbf16>, vector<2048x64xf32>, vector<512x2048xf32> -> vector<512x2048xf32>
    %add3A = vector.broadcast %broadcast_in_dim3A : vector<512x1xf32> to vector<512x2048xf32>
    %add3A_24 = vector.broadcast %broadcast_in_dim3A_18 : vector<1x2048xf32> to vector<512x2048xf32>
    %add3A_25 = arith.addf %add3A, %add3A_24 : vector<512x2048xf32>
    %add3A_26 = arith.addf %add3A_25, %dot_general3A_23 : vector<512x2048xf32>
    %iota3A = tpu.iota {dimensions = array<i32: 1>} : vector<512x2048xi32>
    %bitcast_convert_type3A = tpu.bitcast %add3A_26 : vector<512x2048xf32> -> vector<512x2048xi32>
    %not3A = arith.constant 2047 : i32
    %not3A_27 = arith.constant -1 : i32
    %not3A_28 = arith.xori %not3A, %not3A_27 : i32
    %and3A_29 = vector.broadcast %not3A_28 : i32 to vector<512x2048xi32>
    %and3A_30 = arith.andi %bitcast_convert_type3A, %and3A_29 : vector<512x2048xi32>
    %or3A = arith.ori %and3A_30, %iota3A : vector<512x2048xi32>
    %reduce_min3A = arith.constant dense<2147483647> : vector<512xi32>
    %reduce_min3A_31 = vector.multi_reduction <minsi>, %or3A, %reduce_min3A [1] : vector<512x2048xi32> to vector<512xi32>
    %broadcast_in_dim3A_32 = vector.shape_cast %reduce_min3A_31 : vector<512xi32> to vector<512x1xi32>
    %get3A_33 = arith.constant 0 : index
    %get3A_34 = arith.constant 0 : index
    %get3A_35 = vector.load %arg6[%get3A_33, %get3A_34] : memref<512x1xi32, #tpu.memory_space<vmem>>, vector<512x1xi32>
    %lt3A = arith.cmpi slt, %broadcast_in_dim3A_32, %get3A_35 : vector<512x1xi32>
    %get3A_36 = arith.constant 0 : index
    %get3A_37 = arith.constant 0 : index
    %get3A_38 = vector.load %arg7[%get3A_36, %get3A_37] : memref<512x1xi32, #tpu.memory_space<vmem>>, vector<512x1xi32>
    %broadcast_in_dim3A_39 = vector.broadcast %arg1 : i32 to vector<512x1xi32>
    %select_n3A = arith.select %lt3A, %broadcast_in_dim3A_39, %get3A_38 : vector<512x1xi1>, vector<512x1xi32>
    %swap3A = arith.constant 0 : index
    %swap3A_40 = arith.constant 0 : index
    %swap3A_41 = vector.load %arg7[%swap3A, %swap3A_40] : memref<512x1xi32, #tpu.memory_space<vmem>>, vector<512x1xi32>
    tpu.vector_store %arg7[%swap3A, %swap3A_40], %select_n3A {strides = array<i32>} : memref<512x1xi32, #tpu.memory_space<vmem>>, vector<512x1xi32>,
    %get3A_42 = arith.constant 0 : index
    %get3A_43 = arith.constant 0 : index
    %get3A_44 = vector.load %arg6[%get3A_42, %get3A_43] : memref<512x1xi32, #tpu.memory_space<vmem>>, vector<512x1xi32>
    %select_n3A_45 = arith.select %lt3A, %broadcast_in_dim3A_32, %get3A_44 : vector<512x1xi1>, vector<512x1xi32>
    %swap3A_46 = arith.constant 0 : index
    %swap3A_47 = arith.constant 0 : index
    %swap3A_48 = vector.load %arg6[%swap3A_46, %swap3A_47] : memref<512x1xi32, #tpu.memory_space<vmem>>, vector<512x1xi32>
    tpu.vector_store %arg6[%swap3A_46, %swap3A_47], %select_n3A_45 {strides = array<i32>} : memref<512x1xi32, #tpu.memory_space<vmem>>, vector<512x1xi32>,
    %eq3A_49 = arith.constant 3 : i32
    %eq3A_50 = arith.cmpi eq, %arg1, %eq3A_49 : i32
    %convert_element_type3A_51 = arith.extui %eq3A_50 : i1 to i32
    %cond3A_52 = arith.constant 0 : i32
    %cond3A_53 = arith.cmpi ne, %convert_element_type3A_51, %cond3A_52 : i32
    scf.if %cond3A_53 {
      %get3A_62 = arith.constant 0 : index
      %get3A_63 = arith.constant 0 : index
      %get3A_64 = vector.load %arg6[%get3A_62, %get3A_63] : memref<512x1xi32, #tpu.memory_space<vmem>>, vector<512x1xi32>
      %get3A_65 = arith.constant 0 : index
      %get3A_66 = arith.constant 0 : index
      %get3A_67 = vector.load %arg7[%get3A_65, %get3A_66] : memref<512x1xi32, #tpu.memory_space<vmem>>, vector<512x1xi32>
      %mul3A_68 = arith.constant 2048 : i32
      %mul3A_69 = vector.broadcast %mul3A_68 : i32 to vector<512x1xi32>
      %mul3A_70 = arith.muli %get3A_67, %mul3A_69 : vector<512x1xi32>
      %and3A_71 = arith.constant 2047 : i32
      %and3A_72 = vector.broadcast %and3A_71 : i32 to vector<512x1xi32>
      %and3A_73 = arith.andi %get3A_64, %and3A_72 : vector<512x1xi32>
      %add3A_74 = arith.addi %mul3A_70, %and3A_73 : vector<512x1xi32>
      %reshape3A = vector.shape_cast %add3A_74 : vector<512x1xi32> to vector<512xi32>
      %swap3A_75 = arith.constant 0 : index
      %swap3A_76 = vector.load %arg4[%swap3A_75] : memref<512xi32, #tpu.memory_space<vmem>>, vector<512xi32>
      tpu.vector_store %arg4[%swap3A_75], %reshape3A {strides = array<i32>} : memref<512xi32, #tpu.memory_space<vmem>>, vector<512xi32>,
      %not3A_77 = arith.constant 2047 : i32
      %not3A_78 = arith.constant -1 : i32
      %not3A_79 = arith.xori %not3A_77, %not3A_78 : i32
      %and3A_80 = vector.broadcast %not3A_79 : i32 to vector<512x1xi32>
      %and3A_81 = arith.andi %get3A_64, %and3A_80 : vector<512x1xi32>
      %bitcast_convert_type3A_82 = tpu.bitcast %and3A_81 : vector<512x1xi32> -> vector<512x1xf32>
      %get3A_83 = arith.constant 0 : index
      %get3A_84 = arith.constant 0 : index
      %get3A_85 = vector.load %arg5[%get3A_83, %get3A_84] : memref<1x1xf32, #tpu.memory_space<vmem>>, vector<1x1xf32>
      %reduce_sum3A_86 = vector.shape_cast %bitcast_convert_type3A_82 : vector<512x1xf32> to vector<1x512x1xf32>
      %reduce_sum3A_87 = arith.constant dense<0.000000e+00> : vector<1xf32>
      %reduce_sum3A_88 = vector.multi_reduction <add>, %reduce_sum3A_86, %reduce_sum3A_87 [1, 2] : vector<1x512x1xf32> to vector<1xf32>
      %reduce_sum3A_89 = vector.shape_cast %reduce_sum3A_88 : vector<1xf32> to vector<1x1x1xf32>
      %reduce_sum3A_90 = vector.extract %reduce_sum3A_89[0, 0, 0] : f32 from vector<1x1x1xf32>
      %reshape3A_91 = vector.broadcast %reduce_sum3A_90 : f32 to vector<1x1xf32>
      %add3A_92 = arith.addf %get3A_85, %reshape3A_91 : vector<1x1xf32>
      %swap3A_93 = arith.constant 0 : index
      %swap3A_94 = arith.constant 0 : index
      %swap3A_95 = vector.load %arg5[%swap3A_93, %swap3A_94] : memref<1x1xf32, #tpu.memory_space<vmem>>, vector<1x1xf32>
      tpu.vector_store %arg5[%swap3A_93, %swap3A_94], %add3A_92 {strides = array<i32>} : memref<1x1xf32, #tpu.memory_space<vmem>>, vector<1x1xf32>,
    } else {
    }
    %eq3A_54 = arith.constant 3 : i32
    %eq3A_55 = arith.cmpi eq, %arg1, %eq3A_54 : i32
    %eq3A_56 = arith.constant 17 : i32
    %eq3A_57 = arith.cmpi eq, %arg0, %eq3A_56 : i32
    %and3A_58 = arith.andi %eq3A_55, %eq3A_57 : i1
    %convert_element_type3A_59 = arith.extui %and3A_58 : i1 to i32
    %cond3A_60 = arith.constant 0 : i32
    %cond3A_61 = arith.cmpi ne, %convert_element_type3A_59, %cond3A_60 : i32
    scf.if %cond3A_61 {
      %get3A_62 = arith.constant 0 : index
      %get3A_63 = arith.constant 0 : index
      %get3A_64 = vector.load %arg5[%get3A_62, %get3A_63] : memref<1x1xf32, #tpu.memory_space<vmem>>, vector<1x1xf32>
      %mul3A_65 = arith.constant 2.11927636E-6 : f32
      %mul3A_66 = vector.broadcast %mul3A_65 : f32 to vector<1x1xf32>
      %mul3A_67 = arith.mulf %get3A_64, %mul3A_66 : vector<1x1xf32>
      %swap3A_68 = arith.constant 0 : index
      %swap3A_69 = arith.constant 0 : index
      %swap3A_70 = vector.load %arg5[%swap3A_68, %swap3A_69] : memref<1x1xf32, #tpu.memory_space<vmem>>, vector<1x1xf32>
      tpu.vector_store %arg5[%swap3A_68, %swap3A_69], %mul3A_67 {strides = array<i32>} : memref<1x1xf32, #tpu.memory_space<vmem>>, vector<1x1xf32>,
    } else {
    }
    return
  }
  func.func @transform_0(%arg0: i32, %arg1: i32) -> (i32, i32) {
    %c0_i32 = arith.constant 0 : i32
    %c0_i32_0 = arith.constant 0 : i32
    return %arg0, %c0_i32 : i32, i32
  }
  func.func @transform_1(%arg0: i32, %arg1: i32) -> (i32, i32) {
    %c0_i32 = arith.constant 0 : i32
    %c0_i32_0 = arith.constant 0 : i32
    return %arg1, %c0_i32 : i32, i32
  }
  func.func @transform_2(%arg0: i32, %arg1: i32) -> i32 {
    %c0_i32 = arith.constant 0 : i32
    return %arg0 : i32
  }
  func.func @transform_3(%arg0: i32, %arg1: i32) -> (i32, i32) {
    %c0_i32 = arith.constant 0 : i32
    %c0_i32_0 = arith.constant 0 : i32
    %c0_i32_1 = arith.constant 0 : i32
    return %c0_i32, %c0_i32_0 : i32, i32
  }
}

</mosaic_0001>

<sc_bundles>
// kernel: kernel.4.cloned.1.call-start
scs
__scs_entry_jumppad:
0x0: {  	(pc) =	sbr.rel $0x88, $3  }
0x1: {  	(tag) =	ssettag $0x0;
	lr =	simm.s32 $0x1  }
0x2: {  	[smem:$0x3F9F] =	sst lr;
	_ =	strace $0xD0000000  }
0x3: {  	_ = 	snop  }
0x4: {  	_ = 	snop  }
0x5: {  	_ = 	snop  }
0x6: {  	_ = 	snop  }
0x7: {  	_ = 	snop  }
__scs_overlays_trampoline_lowered:
0x8: {  	[smem:$0x3FAE] =	sst s0  }
0x9: {  	[smem:$0x3FAF] =	sst s1  }
0xa: {  	[smem:$0x3FB0] =	sst s2  }
0xb: {  	[smem:$0x3FB1] =	sst s3  }
0xc: {  	[smem:$0x3FB2] =	sst s4  }
0xd: {  	[smem:$0x3FB3] =	sst s5  }
0xe: {  	[smem:$0x3FB4] =	sst s6  }
0xf: {  	[smem:$0x3FB5] =	sst s7  }
0x10: {  	[smem:$0x3FB6] =	sst s8  }
0x11: {  	[smem:$0x3FB7] =	sst s9;
	s0 =	simm.s32 @!p0 $0x0  }
0x12: {  	s1 =	sld [smem:$0x3F9D];
	s0 =	simm.s32 @p0 $0x1  }
0x13: {  	[smem:$0x3FB8] =	sst s0;
	s0 =	simm.s32 @!p1 $0x0  }
0x14: {  	s2 =	sld [smem:$0x3F9C];
	s0 =	simm.s32 @p1 $0x1  }
0x15: {  	[smem:$0x3FB9] =	sst s0;
	s0 =	simm.s32 @!p2 $0x0  }
0x16: {  	s3 =	sld [smem:$0x3FDB];
	s0 =	simm.s32 @p2 $0x1  }
0x17: {  	s4 =	simm.s32 $0x1BF5;
	[smem:$0x3FBB] =	sst s0  }
0x18: {  	s0 =	sld [smem:$0x3F9E];
	_ =	swait.ge [sflag:s4], $0x0  }
0x19: {  	s7 =	sld [smem:$0x3F9F]  }
0x1a: {  	s8 =	sadd.s32 $0xFFFFE003, lr  }
0x1b: {  	s9 =	sadd.s32 $0xFFFFFEF7, lr;
	s5 =	simm.s32 $0xFFFFFFFF;
	p2 =	slt.u32 s8, $0xFFFFF086  }
0x1c: {  	p1 =	slt.u32 s9, $0xF7A;
	s5 =	simm.s32 @!p2 $0x0  }
0x1d: {  	s5 =	simm.s32 @p1 $0x1;
	p0 =	seq.s32 s7, s2  }
0x1e: {  	s7 =	smul.u32 @!p0 $0xF7A, s2;
	p2 =	seq.s32 @!p0 s5, $0x0  }
0x1f: {  	s9 =	smul.u32 $0xF7A, s1;
	s8 =	simm.s32 @!p0 $0x1BF5;
	p2 =	por !p2, p0  }
0x20: {  	[sflag:s8] =	ssyncset.s32 @!p0 $0xFFFFF086;
	s6 =	sadd.s32 @!p0 s3, s7;
	s7 =	simm.s32 @!p0 $0x108  }
0x21: {  	s3 =	sadd.s32 s3, s9;
	s6 =	sadd.s32 @!p0 $0x88, s6;
	s7 =	simm.s32 @p2 $0x1082  }
0x22: {  	[simem:s7], [sflag:s8] =	dma.local @!p0 [hbm:s6], $0xF7A  }
0x23: {  	s9 =	sor.u32 $0xD0000000, s2;
	s6 =	simm.s32 $0x108;
	_ =	swait.ge @!p0 [sflag:s8], $0x0  }
0x24: {  	s3 =	sadd.s32 $0x88, s3;
	s6 =	simm.s32 @!p1 $0x1082;
	[sflag:s4] =	ssyncset.s32 $0xFFFFF086  }
0x25: {  	[simem:s6], [sflag:s4] =	dma.local [hbm:s3], $0xF7A  }
0x26: {  	[smem:$0x3F9F] =	sst s1;
	(tag) =	ssettag s2;
	_ =	strace s9  }
0x27: {  	s1 =	sld [smem:$0x3FAF]  }
0x28: {  	s2 =	sld [smem:$0x3FB0]  }
0x29: {  	s4 =	sld [smem:$0x3FB2]  }
0x2a: {  	p0 =	seq.s32 s5, $0x0;
	s5 =	sld [smem:$0x3FB3]  }
0x2b: {  	s6 =	sld [smem:$0x3FB4]  }
0x2c: {  	s7 =	sld [smem:$0x3FB5]  }
0x2d: {  	s3 =	simm.s32 $0x108;
	s8 =	sld [smem:$0x3FB6]  }
0x2e: {  	s3 =	simm.s32 @!p0 $0x1082;
	s9 =	sld [smem:$0x3FB7]  }
0x2f: {  	lr =	sadd.s32 s0, s3;
	s0 =	sld [smem:$0x3FAE]  }
0x30: {  	s3 =	sld [smem:$0x3FB1]  }
0x31: {  	[smem:$0x3FBA] =	sst s10  }
0x32: {  	s10 =	sld [smem:$0x3FB8];
	_ =	sdelay $0x3  }
0x33: {  	p0 =	seq.s32 s10, $0x1;
	s10 =	sld [smem:$0x3FBA];
	_ =	sdelay $0x3  }
0x34: {  	[smem:$0x3FBA] =	sst s10  }
0x35: {  	s10 =	sld [smem:$0x3FB9];
	_ =	sdelay $0x3  }
0x36: {  	p1 =	seq.s32 s10, $0x1;
	s10 =	sld [smem:$0x3FBA];
	_ =	sdelay $0x3  }
0x37: {  	[smem:$0x3FBA] =	sst s10  }
0x38: {  	s10 =	sld [smem:$0x3FBB]  }
0x39: {  	_ = 	snop;
	(pc) =	sbr.ind lr, $3  }
0x3a: {  	_ = 	snop  }
0x3b: {  	_ = 	snop  }
0x3c: {  	p2 =	seq.s32 s10, $0x1;
	s10 =	sld [smem:$0x3FBA]  }
0x3d: {  	_ =	shalt  }
0x3e: {  	_ =	shalt  }
0x3f: {  	_ =	shalt  }
0x40: {  	_ =	shalt  }
0x41: {  	_ =	shalt  }
0x42: {  	_ =	shalt  }
0x43: {  	_ =	shalt  }
0x44: {  	_ =	shalt  }
0x45: {  	_ =	shalt  }
0x46: {  	_ =	shalt  }
0x47: {  	_ =	shalt  }
0x48: {  	_ =	shalt  }
0x49: {  	_ =	shalt  }
0x4a: {  	_ =	shalt  }
0x4b: {  	_ =	shalt  }
0x4c: {  	_ =	shalt  }
0x4d: {  	_ =	shalt  }
0x4e: {  	_ =	shalt  }
0x4f: {  	_ =	shalt  }
0x50: {  	_ =	shalt  }
0x51: {  	_ =	shalt  }
0x52: {  	_ =	shalt  }
0x53: {  	_ =	shalt  }
0x54: {  	_ =	shalt  }
0x55: {  	_ =	shalt  }
0x56: {  	_ =	shalt  }
0x57: {  	_ =	shalt  }
0x58: {  	_ =	shalt  }
0x59: {  	_ =	shalt  }
0x5a: {  	_ =	shalt  }
0x5b: {  	_ =	shalt  }
0x5c: {  	_ =	shalt  }
0x5d: {  	_ =	shalt  }
0x5e: {  	_ =	shalt  }
0x5f: {  	_ =	shalt  }
0x60: {  	_ =	shalt  }
0x61: {  	_ =	shalt  }
0x62: {  	_ =	shalt  }
0x63: {  	_ =	shalt  }
0x64: {  	_ =	shalt  }
0x65: {  	_ =	shalt  }
0x66: {  	_ =	shalt  }
0x67: {  	_ =	shalt  }
0x68: {  	_ =	shalt  }
0x69: {  	_ =	shalt  }
0x6a: {  	_ =	shalt  }
0x6b: {  	_ =	shalt  }
0x6c: {  	_ =	shalt  }
0x6d: {  	_ =	shalt  }
0x6e: {  	_ =	shalt  }
0x6f: {  	_ =	shalt  }
0x70: {  	_ =	shalt  }
0x71: {  	_ =	shalt  }
0x72: {  	_ =	shalt  }
0x73: {  	_ =	shalt  }
0x74: {  	_ =	shalt  }
0x75: {  	_ =	shalt  }
0x76: {  	_ =	shalt  }
0x77: {  	_ =	shalt  }
0x78: {  	_ =	shalt  }
0x79: {  	_ =	shalt  }
0x7a: {  	_ =	shalt  }
0x7b: {  	_ =	shalt  }
0x7c: {  	_ =	shalt  }
0x7d: {  	_ =	shalt  }
0x7e: {  	_ =	shalt  }
0x7f: {  	_ =	shalt  }
0x80: {  	_ =	shalt  }
0x81: {  	_ =	shalt  }
0x82: {  	_ =	shalt  }
0x83: {  	_ =	shalt  }
0x84: {  	_ =	shalt  }
0x85: {  	_ =	shalt  }
0x86: {  	_ =	shalt  }
0x87: {  	_ =	shalt  }
.Lfunc_end0:
.L_simem_size_0:
called_computation_lowered:
.L_overlay_start_0:
0x88: {  	s2 =	sld [smem:$0x3FD9]  }
0x89: {  	s3 =	sld [smem:$0x3FFE];
	_ =	sdelay $0x1  }
0x8a: {  	s1 =	srdreg.scid  }
0x8b: {  	s0 =	sand.u32 $0x1, s1  }
0x8c: {  	s14 =	sshll.u32 s0, $0xA;
	s2 =	sadd.s32 s3, s2  }
0x8d: {  	s2 =	sadd.s32 s2, s14  }
0x8e: {  	[smem:$0x3FC6] =	sst s2  }
0x8f: {  	_ = 	snop  }
0x90: {  	s2 =	sld [smem:$0x3FD0];
	_ =	sdelay $0x2  }
0x91: {  	s15 =	simm.s32 $0xA;
	s4 =	simm.s32 $0x10  }
0x92: {  	[smem:s4], [sflag:s15] =	dma.local [hbm:s2], $0x1  }
0x93: {  	_ =	swait.eq [sflag:s15], $0x1  }
0x94: {  	[sflag:s15] =	ssyncset.done $0x0  }
0x95: {  	s16 =	sld [smem:$0x10];
	[sflag:s15] =	ssyncadd.s32 $0xFFFFFFFF  }
0x96: {  	s17 =	sld [smem:$0x12];
	(tm) =	ssettm $0x1  }
0x97: {  	s18 =	sld [smem:$0x3FFB];
	_ =	sdelay $0x3  }
0x98: {  	_ =	strace s18  }
0x99: {  	s4 =	sld [smem:$0x3FFC];
	_ =	sdelay $0x3  }
0x9a: {  	_ =	strace s4  }
0x9b: {  	s4 =	sld [smem:$0x3FFD];
	_ =	sdelay $0x3  }
0x9c: {  	_ =	strace s4  }
0x9d: {  	_ =	strace $0x8FFFFFFF  }
0x9e: {  	s19 =	sld [smem:$0x3FDB];
	_ =	sdelay $0x1  }
0x9f: {  	s5 =	simm.s32 $_scs_section_size  }
0xa0: {  	s6 =	simm.s32 $_size__tile_overlayer_lowered;
	s7 =	simm.s32 $_tile_overlayer_lowered  }
0xa1: {  	s22 =	simm.s32 $0x1BFF;
	s21 =	sshll.u32 s7, $0x1;
	s4 =	sadd.s32 s5, s19  }
0xa2: {  	s8 =	simm.s32 $0x0;
	s20 =	sshll.u32 s6, $0x1;
	s6 =	sadd.s32 s21, s4  }
0xa3: {  	[timem:s8], [sflag:s22] =	dma.local [hbm:s6], s20  }
0xa4: {  	_ =	swait.ge [sflag:s22], s20  }
0xa5: {  	s5 =	ssub.s32 $0x0, s20;
	[sflag:s22] =	ssyncset.done $0x0  }
0xa6: {  	[sflag:s22] =	ssyncadd.s32 s5;
	_ =	sdelay $0x1  }
0xa7: {  	s23 =	simm.s32 $0x1B8B  }
0xa8: {  	_ =	swait.ge [sflag:s23], $0x1  }
0xa9: {  	[sflag:s23] =	ssyncset.done $0x0  }
0xaa: {  	s25 =	simm.s32 $0x1B8E;
	s24 =	sld [smem:$0x3FFE];
	[sflag:s23] =	ssyncadd.s32 $0xFFFFFFFF  }
0xab: {  	s26 =	simm.s32 $execute0_lowered;
	[smem:$0x3FD2] =	sst s25  }
0xac: {  	s6 =	sshll.u32 s26, $0x1;
	_ =	strace $0x80000046;
	[dreg:$0x1] =	wrdreg $0xFFFFFFFF  }
0xad: {  	s28 =	simm.s32 $_size_execute0_lowered;
	s4 =	sadd.s32 s4, s6;
	[dreg:$0x0] =	wrdreg $0x0  }
0xae: {  	s6 =	sshll.u32 s28, $0x1;
	[dreg:$0x2] =	wrdreg s4  }
0xaf: {  	[dreg:$0x3] =	wrdreg s6  }
0xb0: {  	[dreg:$0x4] =	wrdreg $0xC0  }
0xb1: {  	_ =	task [dreg:s8], $0x5FFFF  }
0xb2: {  	[dreg:$0x1] =	wrdreg $0xFFFFFFFF  }
0xb3: {  	[dreg:$0x0] =	wrdreg $0x60  }
0xb4: {  	[dreg:$0x2] =	wrdreg s24  }
0xb5: {  	[dreg:$0x3] =	wrdreg s17  }
0xb6: {  	[dreg:$0x4] =	wrdreg s16  }
0xb7: {  	[dreg:$0x5] =	wrdreg $0x9  }
0xb8: {  	_ =	task.clear_ibuf [dreg:s8], $0x6FFFF;
	_ =	strace $0x90000046  }
0xb9: {  	s29 =	simm.s32 $0x9;
	_ =	strace $0x80000048  }
0xba: {  	_ =	swait.ge [sflag:s29], $0x1  }
0xbb: {  	[sflag:s29] =	ssyncadd.s32 $0xFFFFFFFF  }
0xbc: {  	_ =	strace $0x90000048  }
0xbd: {  	_ =	sfence  }
0xbe: {  	s30 =	sld [smem:$0x0];
	_ =	sdelay $0x2  }
0xbf: {  	s31 =	sshll.u32 s1, $0xD;
	s1 =	sshrl.u32 s1, $0x2  }
0xc0: {  	s3 =	sand.u32 $0x4000, s31;
	s1 =	sadd.s32 s1, s30  }
0xc1: {  	s0 =	sor.u32 s3, s0;
	s1 =	sshll.u32 s1, $0x11  }
0xc2: {  	s0 =	sor.u32 s1, s0  }
0xc3: {  	s0 =	sadd.s32 $0x8F2B, s0  }
0xc4: {  	[sflag:s0] =	ssyncadd.remote.s32 $0x1  }
0xc5: {  	_ =	sfence.sel $0xFFFF  }
0xc6: {  	[dreg:$0x0] =	wrdreg $0xFFFFFFFF;
	(pc) =	sbr.abs _section_cstart, $3  }
0xc7: {  	[dreg:$0x1] =	wrdreg $0xFFFFFFFF  }
0xc8: {  	_ =	task.clear_ibuf [dreg:s8], $0x2FFFF;
	_ =	strace $0x9FFFFFFF  }
0xc9: {  	(tm) =	ssettm $0x7FFFFFFF  }
tec
execute0_lowered:
.L_overlay_start_1:
0x0: {  	(tag) =	ssettag $0x1  }
0x1: {  	s5 =	rddreg [dreg:$0x0]  }
0x2: {  	s1 =	srdreg.scid;
	s0 =	stileid.u32  }
0x3: {  	s3 =	rddreg [dreg:$0x1];
	s16 =	sand.u32 $0x1, s1;
	s31 =	sshll.u32 s0, $0x1  }
0x4: {  	s13 =	rddreg [dreg:$0x2];
	s14 =	sor.u32 s16, s31  }
0x5: {  	s2 =	simm.s32 $0x0;
	s1 =	rddreg [dreg:$0x3];
	s4 =	smul.u32 $0x24, s14  }
0x6: {  	[smem:$0x7FF] =	sst s2  }
0x7: {  	_ =	strace $0x80000047;
	s3 =	sadd.s32 s3, s4;
	s4 =	simm.s32 $0x3  }
0x8: {  	[tilespmem:s2], [sflag:$0x3] =	stream.linear.gather [hbm4b:s3+s2], $0x120, $0x38;
	[tilespmem:$0x4920] =	vst v63  }
0x9: {  	_ =	swait.ge [sflag:s4], $0x120  }
0xa: {  	s6 =	simm.s32 $0x60;
	[sflag:s4] =	ssyncset.done $0x0  }
0xb: {  	s7 =	simm.s32 $0x120;
	s5 =	sadd.s32 $0x800, s5;
	[sflag:s4] =	ssyncadd.s32 $0xFFFFFEE0  }
0xc: {  	[tilespmem:s7], [sflag:$0x1] =	stream.indirect.gather [hbm4b:s5+s6], $0x40, s2, s6, $0xb8;
	[tilespmem:$0x4920] =	vst v63  }
0xd: {  	s8 =	simm.s32 $0x1920  }
0xe: {  	[tilespmem:s8], [sflag:$0x1] =	stream.indirect.gather [hbm4b:s5+s6], $0x40, s6, s6, $0xb8;
	[tilespmem:$0x4920] =	vst v63  }
0xf: {  	s9 =	simm.s32 $0xC0;
	s10 =	simm.s32 $0x3120;
	s11 =	simm.s32 $0x1  }
0x10: {  	[tilespmem:s10], [sflag:$0x1] =	stream.indirect.gather [hbm4b:s5+s6], $0x40, s9, s6, $0xb8;
	[tilespmem:$0x4920] =	vst v63  }
0x11: {  	s12 =	smul.u32 $0x900, s14;
	_ =	swait.ge [sflag:s11], $0x1800  }
0x12: {  	[sflag:s11] =	ssyncset.done $0x0  }
0x13: {  	s14 =	smul.u32 $0x4800, s14;
	s12 =	sadd.s32 s13, s12;
	[sflag:s11] =	ssyncadd.s32 $0xFFFFE800  }
0x14: {  	[hbm4b:s12+s2] =	stream.linear.scatter [tilespmem:s7], [sflag:$0x2], $0x1800, $0x38;
	[tilespmem:$0x4920] =	vst v63  }
0x15: {  	s14 =	sshrl.u32 s14, $0x3;
	_ =	swait.ge [sflag:s11], $0x1800  }
0x16: {  	s14 =	sadd.s32 s13, s14;
	[sflag:s11] =	ssyncset.done $0x0  }
0x17: {  	s13 =	sadd.s32 $0x300, s14;
	[sflag:s11] =	ssyncadd.s32 $0xFFFFE800  }
0x18: {  	[hbm4b:s13+s2] =	stream.linear.scatter [tilespmem:s8], [sflag:$0x2], $0x1800, $0x38;
	[tilespmem:$0x4920] =	vst v63  }
0x19: {  	s16 =	ssub.s32 $0x2, s16;
	_ =	swait.ge [sflag:s11], $0x1800  }
0x1a: {  	s17 =	sshrl.u32 s16, $0x1;
	[sflag:s11] =	ssyncset.done $0x0  }
0x1b: {  	s15 =	sadd.s32 $0x600, s14;
	s14 =	simm.s32 $0x2;
	[sflag:s11] =	ssyncadd.s32 $0xFFFFE800  }
0x1c: {  	[hbm4b:s15+s2] =	stream.linear.scatter [tilespmem:s10], [sflag:$0x2], $0x1800, $0x38;
	[tilespmem:$0x4920] =	vst v63  }
0x1d: {  	s16 =	ssub.s32 s16, s17;
	_ =	swait.ge [sflag:s14], $0x1800  }
0x1e: {  	s16 =	smax.u32 s16, $0x1;
	[sflag:s14] =	ssyncset.done $0x0  }
0x1f: {  	p0 =	sne.s32 s16, $0x1;
	[sflag:s14] =	ssyncadd.s32 $0xFFFFE800  }
.Ltmp0:
0x20: {  	_ =	swait.ge [sflag:s14], $0x1800;
	(pc) =	sbr.rel @!p0 .LBB2_2-.Ltmp0, $4  }
0x21: {  	[sflag:s14] =	ssyncset.done $0x0  }
0x22: {  	[sflag:s14] =	ssyncadd.s32 $0xFFFFE800  }
0x23: {  	_ =	swait.ge [sflag:s14], $0x1800  }
0x24: {  	s16 =	sadd.s32 $0xFFFFFFFF, s16;
	[sflag:s14] =	ssyncset.done $0x0  }
.LBB2_1:
0x25: {  	p0 =	sne.s32 s16, $0x1;
	s16 =	sadd.s32 $0xFFFFFFFF, s16;
	[sflag:s14] =	ssyncadd.s32 $0xFFFFE800  }
0x26: {  	[tilespmem:s2], [sflag:$0x3] =	stream.linear.gather [hbm4b:s3+s2], $0x120, $0x38;
	[tilespmem:$0x4920] =	vst v63  }
0x27: {  	_ =	swait.ge [sflag:s4], $0x120  }
0x28: {  	[sflag:s4] =	ssyncset.done $0x0  }
0x29: {  	[sflag:s4] =	ssyncadd.s32 $0xFFFFFEE0  }
0x2a: {  	[tilespmem:s7], [sflag:$0x1] =	stream.indirect.gather [hbm4b:s5+s6], $0x40, s2, s6, $0xb8;
	[tilespmem:$0x4920] =	vst v63  }
0x2b: {  	_ = 	snop  }
0x2c: {  	[tilespmem:s8], [sflag:$0x1] =	stream.indirect.gather [hbm4b:s5+s6], $0x40, s6, s6, $0xb8;
	[tilespmem:$0x4920] =	vst v63  }
0x2d: {  	_ = 	snop  }
0x2e: {  	[tilespmem:s10], [sflag:$0x1] =	stream.indirect.gather [hbm4b:s5+s6], $0x40, s9, s6, $0xb8;
	[tilespmem:$0x4920] =	vst v63  }
0x2f: {  	_ =	swait.ge [sflag:s11], $0x1800  }
0x30: {  	[sflag:s11] =	ssyncset.done $0x0  }
0x31: {  	[sflag:s11] =	ssyncadd.s32 $0xFFFFE800  }
0x32: {  	[hbm4b:s12+s2] =	stream.linear.scatter [tilespmem:s7], [sflag:$0x2], $0x1800, $0x38;
	[tilespmem:$0x4920] =	vst v63  }
0x33: {  	_ =	swait.ge [sflag:s11], $0x1800  }
0x34: {  	[sflag:s11] =	ssyncset.done $0x0  }
0x35: {  	[sflag:s11] =	ssyncadd.s32 $0xFFFFE800  }
0x36: {  	[hbm4b:s13+s2] =	stream.linear.scatter [tilespmem:s8], [sflag:$0x2], $0x1800, $0x38;
	[tilespmem:$0x4920] =	vst v63  }
0x37: {  	_ =	swait.ge [sflag:s11], $0x1800  }
0x38: {  	[sflag:s11] =	ssyncset.done $0x0  }
0x39: {  	[sflag:s11] =	ssyncadd.s32 $0xFFFFE800  }
0x3a: {  	[hbm4b:s15+s2] =	stream.linear.scatter [tilespmem:s10], [sflag:$0x2], $0x1800, $0x38;
	[tilespmem:$0x4920] =	vst v63  }
0x3b: {  	_ =	swait.ge [sflag:s14], $0x1800  }
0x3c: {  	[sflag:s14] =	ssyncset.done $0x0  }
0x3d: {  	[sflag:s14] =	ssyncadd.s32 $0xFFFFE800  }
.Ltmp1:
0x3e: {  	_ =	swait.ge [sflag:s14], $0x1800;
	(pc) =	sbr.rel @p0 .LBB2_1-.Ltmp1, $4  }
0x3f: {  	[sflag:s14] =	ssyncset.done $0x0  }
0x40: {  	[sflag:s14] =	ssyncadd.s32 $0xFFFFE800  }
0x41: {  	_ =	swait.ge [sflag:s14], $0x1800  }
0x42: {  	[sflag:s14] =	ssyncset.done $0x0  }
.LBB2_2:
0x43: {  	[sflag:s14] =	ssyncadd.s32 $0xFFFFE800  }
0x44: {  	_ =	sfence.sel $0x180000  }
0x45: {  	[bflag:$0x0] =	sbarrier.arrive $0xFFFF  }
0x46: {  	p0 =	sne.s32 s0, $0x0;
	_ =	strace $0x90000047  }
0x47: {  	s0 =	sadd.s32 @!p0 $0x100000, s1;
	[bflag:$0x2] =	sbarrier.arrive $0xFFFF  }
0x48: {  	[sflag:s0] =	ssyncadd.tile.s32 @!p0 $0x1;
	_ =	shalt  }
.Lfunc_end2:
_tile_overlayer_lowered:
.L_overlay_start_2:
0x49: {  	(tag) =	ssettag $0x2  }
0x4a: {  	s0 =	rddreg [dreg:$0x0];
	s2 =	stileid.u32  }
0x4b: {  	s1 =	rddreg [dreg:$0x1];
	p0 =	sne.s32 s2, $0x0  }
0x4c: {  	s3 =	rddreg [dreg:$0x2];
	[bflag:$0x3] =	sbarrier.arrive $0xFFFF;
	s2 =	simm.s32 @!p0 $0x1C03  }
0x4d: {  	[timem:s3], [sflag:s2] =	dma.local @!p0 [hbm:s0], s1  }
0x4e: {  	s0 =	simm.s32 @!p0 $0x3  }
0x4f: {  	_ =	swait.ge @!p0 [sflag:s0], s1  }
0x50: {  	s1 =	ssub.s32 @!p0 $0x0, s1;
	[sflag:s0] =	ssyncset.done @!p0 $0x0  }
0x51: {  	[sflag:s0] =	ssyncadd.s32 @!p0 s1  }
0x52: {  	[bflag:$0x3] =	sbarrier.arrive $0xFFFF  }
0x53: {  	_ =	shalt  }

</sc_bundles>
